<compile_context>
chip_gen: v7x
topology: tpu7x:2x2x1
jax: 0.10.2.dev20260603
libtpu: 0.0.44.dev20260713+nightly
codegen_flags: <defaults>
</compile_context>

<pallas_src>
import functools

import jax
import jax.numpy as jnp
from jax import lax
from jax.experimental import pallas as pl
from jax.experimental.pallas import tpu as pltpu
from jax.experimental.pallas import tpu_sc as plsc

N_ABF = 8
N_DISC = 64
DOM_HI = 5.0
LOG2E = 1.4426950408889634


def _sc_gather(table, idx):
    n_rows = idx.shape[0]
    width = table.shape[1]
    nc, ns = 2, 16
    nw = nc * ns
    per_w = n_rows // nw

    mesh = plsc.VectorSubcoreMesh(core_axis_name="c", subcore_axis_name="s")

    @functools.partial(
        pl.kernel,
        mesh=mesh,
        out_type=jax.ShapeDtypeStruct((n_rows, width), jnp.float32),
        scratch_types=[
            pltpu.VMEM((per_w,), jnp.int32),
            pltpu.VMEM((per_w, width), jnp.float32),
            pltpu.SemaphoreType.DMA,
        ],
    )
    def gather_k(table_hbm, idx_hbm, out_hbm, idx_v, rows_v, sem):
        wid = lax.axis_index("s") * nc + lax.axis_index("c")
        base = wid * per_w
        pltpu.sync_copy(idx_hbm.at[pl.ds(base, per_w)], idx_v)
        pltpu.async_copy(table_hbm.at[idx_v], rows_v, sem).wait()
        pltpu.sync_copy(rows_v, out_hbm.at[pl.ds(base, per_w)])

    return gather_k(table, idx)


def _lane_consts(n):
    lane = lax.broadcasted_iota(jnp.int32, (1, 1, 2 * N_DISC), 2)
    sel = lane < N_DISC
    step = DOM_HI / (N_DISC - 1)
    dval = jnp.where(sel, lane, lane - N_DISC).astype(jnp.float32) * step
    return sel, dval


def _tc_main_body(r_ref, g_ref, o_ref):
    ni = r_ref.shape[1]
    n = r_ref.shape[2]
    sel, dval = _lane_consts(n)
    rb = r_ref[...]
    r0 = rb[0][:, :, None]
    r1 = rb[1][:, :, None]
    rp = jnp.where(sel, r0, r1)
    diff = rp - dval
    d2 = diff * diff
    g = g_ref[...]
    acc = jnp.zeros((ni, n, 2 * N_DISC), jnp.float32)
    for k in range(N_ABF):
        ce = g[0:n, k : k + 1].reshape(1, n, 1)
        co = g[n : 2 * n, k : k + 1].reshape(1, n, 1)
        ae = g[0:n, N_ABF + k : N_ABF + k + 1].reshape(1, n, 1)
        ao = g[n : 2 * n, N_ABF + k : N_ABF + k + 1].reshape(1, n, 1)
        cc = jnp.where(sel, ce, co)
        aa = jnp.where(sel, jnp.abs(ae), jnp.abs(ao)) * (-LOG2E)
        acc = acc + cc * jax.lax.exp2(aa * d2)
    o_ref[0] = acc[:, :, 0:N_DISC]
    o_ref[1] = acc[:, :, N_DISC : 2 * N_DISC]


def kernel(r, z, coeff_table, exp_table):
    b, n = z.shape
    v = coeff_table.shape[0]
    table = jnp.zeros((v, 128), jnp.float32)
    table = table.at[:, :N_ABF].set(coeff_table.astype(jnp.float32))
    table = table.at[:, N_ABF : 2 * N_ABF].set(exp_table.astype(jnp.float32))
    idx = z.astype(jnp.int32).reshape(-1)

    gathered = _sc_gather(table, idx)

    rs = r.reshape(b, n, n)
    ni = n
    out = pl.pallas_call(
        _tc_main_body,
        grid=(b // 2, n // ni),
        in_specs=[
            pl.BlockSpec((2, ni, n), lambda i, q: (i, q, 0)),
            pl.BlockSpec((2 * n, 128), lambda i, q: (i, 0)),
        ],
        out_specs=pl.BlockSpec((2, ni, n, N_DISC), lambda i, q: (i, q, 0, 0)),
        out_shape=jax.ShapeDtypeStruct((b, n, n, N_DISC), jnp.float32),
    )(rs, gathered)
    return out

# --- scband reference (transcript-rebuilt; emitter-appended) ---
"""Pipeline reference for scband-atomic-basis-fn-4045859192948 (READ-ONLY COPY).

The authoritative reference and input builder live on the scoring server;
editing this copy changes nothing except your own understanding.
"""

import jax, jax.numpy as jnp
import numpy as np

MAX_Z = 100
N_ABF = 8
N_DISC = 64
DOMAIN = (0.0, 5.0)


def gaussian_basis(r, coefficient, exponent, l_k):
    # r: (B, n, n, 1); coefficient/exponent: (B, 1, n, n_abf); l_k: (D,)
    rr = r[..., None]                      # (B, n, n, 1, 1)
    diff = rr - l_k                        # (B, n, n, 1, D)
    g = jnp.exp(-jnp.abs(exponent)[..., None] * diff ** 2)  # (B, n, n, n_abf, D)
    phi = jnp.sum(coefficient[..., None] * g, axis=-2)       # (B, n, n, D)
    return phi


def setup_inputs(seed: int = 0) -> dict:
    key = jax.random.key(seed)
    k_r, k_z, k_c, k_e = jax.random.split(key, 4)
    B, n = 8, 64
    r = jax.random.uniform(k_r, (B, n, n, 1), dtype=jnp.float32, minval=0.0, maxval=DOMAIN[1])
    z = jax.random.randint(k_z, (B, n), 0, MAX_Z, dtype=jnp.int64 if jax.config.jax_enable_x64 else jnp.int32)
    coeff_table = 0.25 * jax.random.normal(k_c, (MAX_Z, N_ABF), dtype=jnp.float32)
    exp_table = 0.025 * jax.random.normal(k_e, (MAX_Z, N_ABF), dtype=jnp.float32)
    return {"r": r, "z": z, "coeff_table": coeff_table, "exp_table": exp_table}


def reference(r, z, coeff_table, exp_table):
    l_k = jnp.linspace(DOMAIN[0], DOMAIN[1], N_DISC)
    coefficient = jnp.take(coeff_table, z, axis=0)   # (B, n, n_abf) embedding lookup
    exponent = jnp.take(exp_table, z, axis=0)        # (B, n, n_abf) embedding lookup
    coefficient = jnp.expand_dims(coefficient, -3)   # (B, 1, n, n_abf)
    exponent = jnp.expand_dims(exponent, -3)         # (B, 1, n, n_abf)
    return gaussian_basis(r, coefficient, exponent, l_k)

if __name__ == "__main__":
    import jax
    _d = setup_inputs()
    print(jax.jit(kernel)(*tuple(_d.values())))

</pallas_src>

<mosaic_0001>
#map = affine_map<(d0, d1) -> (0, 0)>
#map1 = affine_map<(d0, d1) -> (0)>
module attributes {stable_mosaic.version = 14 : i64} {
  func.func @gather_k(%arg0: i32, %arg1: i32, %arg2: memref<100x128xf32, #tpu.memory_space<hbm>>, %arg3: memref<512xi32, #tpu.memory_space<hbm>>, %arg4: memref<512x128xf32, #tpu.memory_space<hbm>>, %arg5: memref<16xi32, #tpu.memory_space<vmem>>, %arg6: memref<16x128xf32, #tpu.memory_space<vmem>>, %arg7: memref<!tpu.dma_semaphore, #tpu.memory_space<semaphore_mem>>) attributes {dimension_semantics = [#tpu.dimension_semantics<core_parallel>, #tpu.dimension_semantics<subcore_parallel>], iteration_bounds = array<i64: 2, 16>, scalar_prefetch = 0 : i64, scratch_operands = 3 : i64, tpu.core_type = #tpu.core_type<sc_vector_subcore>, window_params = [{transform_indices = #map}, {transform_indices = #map1}, {transform_indices = #map}]} {
    %mul3A = arith.constant 2 : i32
    %mul3A_0 = arith.muli %arg1, %mul3A : i32
    %add3A = arith.addi %mul3A_0, %arg0 : i32
    %mul3A_1 = arith.constant 16 : i32
    %mul3A_2 = arith.muli %add3A, %mul3A_1 : i32
    "tpu.region"() ({
      %run_scoped3A = tpu.sem_alloc : memref<!tpu.dma_semaphore, #tpu.memory_space<semaphore_mem>>
      %dma_start3A_7 = tpu.memref_slice %arg3[%mul3A_2] : memref<512xi32, #tpu.memory_space<hbm>> -> memref<16xi32, #tpu.memory_space<hbm>>
      %dma_start3A_8 = tpu.memref_slice %arg3[%mul3A_2] : memref<512xi32, #tpu.memory_space<hbm>> -> memref<16xi32, #tpu.memory_space<hbm>>
      tpu.enqueue_dma source(%dma_start3A_8 : memref<16xi32, #tpu.memory_space<hbm>>) target(%arg5 : memref<16xi32, #tpu.memory_space<vmem>>) target_semaphore(%run_scoped3A : memref<!tpu.dma_semaphore, #tpu.memory_space<semaphore_mem>>)
      %dma_wait3A_9 = tpu.memref_slice %arg3[%mul3A_2] : memref<512xi32, #tpu.memory_space<hbm>> -> memref<16xi32, #tpu.memory_space<hbm>>
      %dma_wait3A_10 = tpu.memref_slice %arg3[%mul3A_2] : memref<512xi32, #tpu.memory_space<hbm>> -> memref<16xi32, #tpu.memory_space<hbm>>
      tpu.wait_dma2 semaphore(%run_scoped3A : memref<!tpu.dma_semaphore, #tpu.memory_space<semaphore_mem>>) src(%dma_wait3A_10 : memref<16xi32, #tpu.memory_space<hbm>>) dst(%arg5 : memref<16xi32, #tpu.memory_space<vmem>>)
      tpu.yield
    }) : () -> ()
    %dma_start3A = arith.constant 0 : i32
    %dma_start3A_3 = arith.constant 0 : i32
    %dma_start3A_4 = tpu.memref_slice %arg2[%dma_start3A, %dma_start3A_3] : memref<100x128xf32, #tpu.memory_space<hbm>> -> memref<100x128xf32, #tpu.memory_space<hbm>>
    tpu.enqueue_indirect_dma source(%dma_start3A_4 : memref<100x128xf32, #tpu.memory_space<hbm>>) target(%arg6 : memref<16x128xf32, #tpu.memory_space<vmem>>) offsets(%arg5 : memref<16xi32, #tpu.memory_space<vmem>>) semaphore(%arg7 : memref<!tpu.dma_semaphore, #tpu.memory_space<semaphore_mem>>)
    %dma_wait3A = arith.constant 0 : i32
    %dma_wait3A_5 = arith.constant 0 : i32
    %dma_wait3A_6 = tpu.memref_slice %arg2[%dma_wait3A, %dma_wait3A_5] : memref<100x128xf32, #tpu.memory_space<hbm>> -> memref<100x128xf32, #tpu.memory_space<hbm>>
    tpu.wait_indirect_dma semaphore(%arg7 : memref<!tpu.dma_semaphore, #tpu.memory_space<semaphore_mem>>) src(%dma_wait3A_6 : memref<100x128xf32, #tpu.memory_space<hbm>>) dst(%arg6 : memref<16x128xf32, #tpu.memory_space<vmem>>)
    "tpu.region"() ({
      %run_scoped3A = tpu.sem_alloc : memref<!tpu.dma_semaphore, #tpu.memory_space<semaphore_mem>>
      %dma_start3A_7 = arith.constant 0 : i32
      %dma_start3A_8 = tpu.memref_slice %arg4[%mul3A_2, %dma_start3A_7] : memref<512x128xf32, #tpu.memory_space<hbm>> -> memref<16x128xf32, #tpu.memory_space<hbm>>
      %dma_start3A_9 = arith.constant 0 : i32
      %dma_start3A_10 = tpu.memref_slice %arg4[%mul3A_2, %dma_start3A_9] : memref<512x128xf32, #tpu.memory_space<hbm>> -> memref<16x128xf32, #tpu.memory_space<hbm>>
      tpu.enqueue_dma source(%arg6 : memref<16x128xf32, #tpu.memory_space<vmem>>) target(%dma_start3A_10 : memref<16x128xf32, #tpu.memory_space<hbm>>) target_semaphore(%run_scoped3A : memref<!tpu.dma_semaphore, #tpu.memory_space<semaphore_mem>>)
      %dma_wait3A_11 = arith.constant 0 : i32
      %dma_wait3A_12 = tpu.memref_slice %arg4[%mul3A_2, %dma_wait3A_11] : memref<512x128xf32, #tpu.memory_space<hbm>> -> memref<16x128xf32, #tpu.memory_space<hbm>>
      %dma_wait3A_13 = arith.constant 0 : i32
      %dma_wait3A_14 = tpu.memref_slice %arg4[%mul3A_2, %dma_wait3A_13] : memref<512x128xf32, #tpu.memory_space<hbm>> -> memref<16x128xf32, #tpu.memory_space<hbm>>
      tpu.wait_dma2 semaphore(%run_scoped3A : memref<!tpu.dma_semaphore, #tpu.memory_space<semaphore_mem>>) src(%arg6 : memref<16x128xf32, #tpu.memory_space<vmem>>) dst(%dma_wait3A_14 : memref<16x128xf32, #tpu.memory_space<hbm>>)
      tpu.yield
    }) : () -> ()
    return
  }
}

module attributes {stable_mosaic.version = 14 : i64} {
  func.func @_tc_main_body(%arg0: i32, %arg1: i32, %arg2: memref<2x64x64xf32, #tpu.memory_space<vmem>>, %arg3: memref<128x128xf32, #tpu.memory_space<vmem>>, %arg4: memref<2x64x64x64xf32, #tpu.memory_space<vmem>>) attributes {dimension_semantics = [#tpu.dimension_semantics<arbitrary>, #tpu.dimension_semantics<arbitrary>], iteration_bounds = array<i64: 4, 1>, scalar_prefetch = 0 : i64, scratch_operands = 0 : i64, tpu.core_type = #tpu.core_type<tc>, window_params = [{transform_indices = @transform_0, window_bounds = array<i64: 2, 64, 64>}, {transform_indices = @transform_1, window_bounds = array<i64: 128, 128>}, {transform_indices = @transform_2, window_bounds = array<i64: 2, 64, 64, 64>}]} {
    %iota3A = tpu.iota {dimensions = array<i32: 2>} : vector<1x1x128xi32>
    %lt3A = arith.constant 64 : i32
    %lt3A_0 = vector.broadcast %lt3A : i32 to vector<1x1x128xi32>
    %lt3A_1 = arith.cmpi slt, %iota3A, %lt3A_0 : vector<1x1x128xi32>
    %sub3A = arith.constant 64 : i32
    %sub3A_2 = vector.broadcast %sub3A : i32 to vector<1x1x128xi32>
    %sub3A_3 = arith.subi %iota3A, %sub3A_2 : vector<1x1x128xi32>
    %select_n3A = arith.select %lt3A_1, %iota3A, %sub3A_3 : vector<1x1x128xi1>, vector<1x1x128xi32>
    %convert_element_type3A = arith.sitofp %select_n3A : vector<1x1x128xi32> to vector<1x1x128xf32>
    %mul3A = arith.constant 0.079365082 : f32
    %mul3A_4 = vector.broadcast %mul3A : f32 to vector<1x1x128xf32>
    %mul3A_5 = arith.mulf %convert_element_type3A, %mul3A_4 : vector<1x1x128xf32>
    %get3A = arith.constant 0 : index
    %get3A_6 = arith.constant 0 : index
    %get3A_7 = arith.constant 0 : index
    %get3A_8 = vector.load %arg2[%get3A, %get3A_6, %get3A_7] : memref<2x64x64xf32, #tpu.memory_space<vmem>>, vector<2x64x64xf32>
    %slice3A = vector.extract_strided_slice %get3A_8 {offsets = [0, 0, 0], sizes = [1, 64, 64], strides = [1, 1, 1]} : vector<2x64x64xf32> to vector<1x64x64xf32>
    %squeeze3A = vector.shape_cast %slice3A : vector<1x64x64xf32> to vector<64x64xf32>
    %broadcast_in_dim3A = vector.shape_cast %squeeze3A : vector<64x64xf32> to vector<64x64x1xf32>
    %slice3A_9 = vector.extract_strided_slice %get3A_8 {offsets = [1, 0, 0], sizes = [1, 64, 64], strides = [1, 1, 1]} : vector<2x64x64xf32> to vector<1x64x64xf32>
    %squeeze3A_10 = vector.shape_cast %slice3A_9 : vector<1x64x64xf32> to vector<64x64xf32>
    %broadcast_in_dim3A_11 = vector.shape_cast %squeeze3A_10 : vector<64x64xf32> to vector<64x64x1xf32>
    %broadcast_in_dim3A_12 = vector.shape_cast %lt3A_1 : vector<1x1x128xi1> to vector<1x1x128xi1>
    %broadcast_in_dim3A_13 = vector.broadcast %broadcast_in_dim3A_12 : vector<1x1x128xi1> to vector<64x64x128xi1>
    %broadcast_in_dim3A_14 = vector.shape_cast %broadcast_in_dim3A : vector<64x64x1xf32> to vector<64x64x1xf32>
    %broadcast_in_dim3A_15 = vector.broadcast %broadcast_in_dim3A_14 : vector<64x64x1xf32> to vector<64x64x128xf32>
    %broadcast_in_dim3A_16 = vector.shape_cast %broadcast_in_dim3A_11 : vector<64x64x1xf32> to vector<64x64x1xf32>
    %broadcast_in_dim3A_17 = vector.broadcast %broadcast_in_dim3A_16 : vector<64x64x1xf32> to vector<64x64x128xf32>
    %select_n3A_18 = arith.select %broadcast_in_dim3A_13, %broadcast_in_dim3A_15, %broadcast_in_dim3A_17 : vector<64x64x128xi1>, vector<64x64x128xf32>
    %sub3A_19 = vector.broadcast %mul3A_5 : vector<1x1x128xf32> to vector<64x64x128xf32>
    %sub3A_20 = arith.subf %select_n3A_18, %sub3A_19 : vector<64x64x128xf32>
    %mul3A_21 = arith.mulf %sub3A_20, %sub3A_20 : vector<64x64x128xf32>
    %get3A_22 = arith.constant 0 : index
    %get3A_23 = arith.constant 0 : index
    %get3A_24 = vector.load %arg3[%get3A_22, %get3A_23] : memref<128x128xf32, #tpu.memory_space<vmem>>, vector<128x128xf32>
    %broadcast_in_dim3A_25 = arith.constant 0.000000e+00 : f32
    %broadcast_in_dim3A_26 = vector.broadcast %broadcast_in_dim3A_25 : f32 to vector<64x64x128xf32>
    %slice3A_27 = vector.extract_strided_slice %get3A_24 {offsets = [0, 0], sizes = [64, 1], strides = [1, 1]} : vector<128x128xf32> to vector<64x1xf32>
    %reshape3A = vector.shape_cast %slice3A_27 : vector<64x1xf32> to vector<1x64x1xf32>
    %slice3A_28 = vector.extract_strided_slice %get3A_24 {offsets = [64, 0], sizes = [64, 1], strides = [1, 1]} : vector<128x128xf32> to vector<64x1xf32>
    %reshape3A_29 = vector.shape_cast %slice3A_28 : vector<64x1xf32> to vector<1x64x1xf32>
    %slice3A_30 = vector.extract_strided_slice %get3A_24 {offsets = [0, 8], sizes = [64, 1], strides = [1, 1]} : vector<128x128xf32> to vector<64x1xf32>
    %reshape3A_31 = vector.shape_cast %slice3A_30 : vector<64x1xf32> to vector<1x64x1xf32>
    %slice3A_32 = vector.extract_strided_slice %get3A_24 {offsets = [64, 8], sizes = [64, 1], strides = [1, 1]} : vector<128x128xf32> to vector<64x1xf32>
    %reshape3A_33 = vector.shape_cast %slice3A_32 : vector<64x1xf32> to vector<1x64x1xf32>
    %broadcast_in_dim3A_34 = vector.shape_cast %lt3A_1 : vector<1x1x128xi1> to vector<1x1x128xi1>
    %broadcast_in_dim3A_35 = vector.broadcast %broadcast_in_dim3A_34 : vector<1x1x128xi1> to vector<1x64x128xi1>
    %broadcast_in_dim3A_36 = vector.shape_cast %reshape3A : vector<1x64x1xf32> to vector<1x64x1xf32>
    %broadcast_in_dim3A_37 = vector.broadcast %broadcast_in_dim3A_36 : vector<1x64x1xf32> to vector<1x64x128xf32>
    %broadcast_in_dim3A_38 = vector.shape_cast %reshape3A_29 : vector<1x64x1xf32> to vector<1x64x1xf32>
    %broadcast_in_dim3A_39 = vector.broadcast %broadcast_in_dim3A_38 : vector<1x64x1xf32> to vector<1x64x128xf32>
    %select_n3A_40 = arith.select %broadcast_in_dim3A_35, %broadcast_in_dim3A_37, %broadcast_in_dim3A_39 : vector<1x64x128xi1>, vector<1x64x128xf32>
    %abs3A = math.absf %reshape3A_31 : vector<1x64x1xf32>
    %abs3A_41 = math.absf %reshape3A_33 : vector<1x64x1xf32>
    %broadcast_in_dim3A_42 = vector.shape_cast %lt3A_1 : vector<1x1x128xi1> to vector<1x1x128xi1>
    %broadcast_in_dim3A_43 = vector.broadcast %broadcast_in_dim3A_42 : vector<1x1x128xi1> to vector<1x64x128xi1>
    %broadcast_in_dim3A_44 = vector.shape_cast %abs3A : vector<1x64x1xf32> to vector<1x64x1xf32>
    %broadcast_in_dim3A_45 = vector.broadcast %broadcast_in_dim3A_44 : vector<1x64x1xf32> to vector<1x64x128xf32>
    %broadcast_in_dim3A_46 = vector.shape_cast %abs3A_41 : vector<1x64x1xf32> to vector<1x64x1xf32>
    %broadcast_in_dim3A_47 = vector.broadcast %broadcast_in_dim3A_46 : vector<1x64x1xf32> to vector<1x64x128xf32>
    %select_n3A_48 = arith.select %broadcast_in_dim3A_43, %broadcast_in_dim3A_45, %broadcast_in_dim3A_47 : vector<1x64x128xi1>, vector<1x64x128xf32>
    %mul3A_49 = arith.constant -1.44269502 : f32
    %mul3A_50 = vector.broadcast %mul3A_49 : f32 to vector<1x64x128xf32>
    %mul3A_51 = arith.mulf %select_n3A_48, %mul3A_50 : vector<1x64x128xf32>
    %mul3A_52 = vector.broadcast %mul3A_51 : vector<1x64x128xf32> to vector<64x64x128xf32>
    %mul3A_53 = arith.mulf %mul3A_52, %mul3A_21 : vector<64x64x128xf32>
    %exp23A = math.exp2 %mul3A_53 : vector<64x64x128xf32>
    %mul3A_54 = vector.broadcast %select_n3A_40 : vector<1x64x128xf32> to vector<64x64x128xf32>
    %mul3A_55 = arith.mulf %mul3A_54, %exp23A : vector<64x64x128xf32>
    %add3A = arith.addf %broadcast_in_dim3A_26, %mul3A_55 : vector<64x64x128xf32>
    %slice3A_56 = vector.extract_strided_slice %get3A_24 {offsets = [0, 1], sizes = [64, 1], strides = [1, 1]} : vector<128x128xf32> to vector<64x1xf32>
    %reshape3A_57 = vector.shape_cast %slice3A_56 : vector<64x1xf32> to vector<1x64x1xf32>
    %slice3A_58 = vector.extract_strided_slice %get3A_24 {offsets = [64, 1], sizes = [64, 1], strides = [1, 1]} : vector<128x128xf32> to vector<64x1xf32>
    %reshape3A_59 = vector.shape_cast %slice3A_58 : vector<64x1xf32> to vector<1x64x1xf32>
    %slice3A_60 = vector.extract_strided_slice %get3A_24 {offsets = [0, 9], sizes = [64, 1], strides = [1, 1]} : vector<128x128xf32> to vector<64x1xf32>
    %reshape3A_61 = vector.shape_cast %slice3A_60 : vector<64x1xf32> to vector<1x64x1xf32>
    %slice3A_62 = vector.extract_strided_slice %get3A_24 {offsets = [64, 9], sizes = [64, 1], strides = [1, 1]} : vector<128x128xf32> to vector<64x1xf32>
    %reshape3A_63 = vector.shape_cast %slice3A_62 : vector<64x1xf32> to vector<1x64x1xf32>
    %broadcast_in_dim3A_64 = vector.shape_cast %lt3A_1 : vector<1x1x128xi1> to vector<1x1x128xi1>
    %broadcast_in_dim3A_65 = vector.broadcast %broadcast_in_dim3A_64 : vector<1x1x128xi1> to vector<1x64x128xi1>
    %broadcast_in_dim3A_66 = vector.shape_cast %reshape3A_57 : vector<1x64x1xf32> to vector<1x64x1xf32>
    %broadcast_in_dim3A_67 = vector.broadcast %broadcast_in_dim3A_66 : vector<1x64x1xf32> to vector<1x64x128xf32>
    %broadcast_in_dim3A_68 = vector.shape_cast %reshape3A_59 : vector<1x64x1xf32> to vector<1x64x1xf32>
    %broadcast_in_dim3A_69 = vector.broadcast %broadcast_in_dim3A_68 : vector<1x64x1xf32> to vector<1x64x128xf32>
    %select_n3A_70 = arith.select %broadcast_in_dim3A_65, %broadcast_in_dim3A_67, %broadcast_in_dim3A_69 : vector<1x64x128xi1>, vector<1x64x128xf32>
    %abs3A_71 = math.absf %reshape3A_61 : vector<1x64x1xf32>
    %abs3A_72 = math.absf %reshape3A_63 : vector<1x64x1xf32>
    %broadcast_in_dim3A_73 = vector.shape_cast %lt3A_1 : vector<1x1x128xi1> to vector<1x1x128xi1>
    %broadcast_in_dim3A_74 = vector.broadcast %broadcast_in_dim3A_73 : vector<1x1x128xi1> to vector<1x64x128xi1>
    %broadcast_in_dim3A_75 = vector.shape_cast %abs3A_71 : vector<1x64x1xf32> to vector<1x64x1xf32>
    %broadcast_in_dim3A_76 = vector.broadcast %broadcast_in_dim3A_75 : vector<1x64x1xf32> to vector<1x64x128xf32>
    %broadcast_in_dim3A_77 = vector.shape_cast %abs3A_72 : vector<1x64x1xf32> to vector<1x64x1xf32>
    %broadcast_in_dim3A_78 = vector.broadcast %broadcast_in_dim3A_77 : vector<1x64x1xf32> to vector<1x64x128xf32>
    %select_n3A_79 = arith.select %broadcast_in_dim3A_74, %broadcast_in_dim3A_76, %broadcast_in_dim3A_78 : vector<1x64x128xi1>, vector<1x64x128xf32>
    %mul3A_80 = arith.constant -1.44269502 : f32
    %mul3A_81 = vector.broadcast %mul3A_80 : f32 to vector<1x64x128xf32>
    %mul3A_82 = arith.mulf %select_n3A_79, %mul3A_81 : vector<1x64x128xf32>
    %mul3A_83 = vector.broadcast %mul3A_82 : vector<1x64x128xf32> to vector<64x64x128xf32>
    %mul3A_84 = arith.mulf %mul3A_83, %mul3A_21 : vector<64x64x128xf32>
    %exp23A_85 = math.exp2 %mul3A_84 : vector<64x64x128xf32>
    %mul3A_86 = vector.broadcast %select_n3A_70 : vector<1x64x128xf32> to vector<64x64x128xf32>
    %mul3A_87 = arith.mulf %mul3A_86, %exp23A_85 : vector<64x64x128xf32>
    %add3A_88 = arith.addf %add3A, %mul3A_87 : vector<64x64x128xf32>
    %slice3A_89 = vector.extract_strided_slice %get3A_24 {offsets = [0, 2], sizes = [64, 1], strides = [1, 1]} : vector<128x128xf32> to vector<64x1xf32>
    %reshape3A_90 = vector.shape_cast %slice3A_89 : vector<64x1xf32> to vector<1x64x1xf32>
    %slice3A_91 = vector.extract_strided_slice %get3A_24 {offsets = [64, 2], sizes = [64, 1], strides = [1, 1]} : vector<128x128xf32> to vector<64x1xf32>
    %reshape3A_92 = vector.shape_cast %slice3A_91 : vector<64x1xf32> to vector<1x64x1xf32>
    %slice3A_93 = vector.extract_strided_slice %get3A_24 {offsets = [0, 10], sizes = [64, 1], strides = [1, 1]} : vector<128x128xf32> to vector<64x1xf32>
    %reshape3A_94 = vector.shape_cast %slice3A_93 : vector<64x1xf32> to vector<1x64x1xf32>
    %slice3A_95 = vector.extract_strided_slice %get3A_24 {offsets = [64, 10], sizes = [64, 1], strides = [1, 1]} : vector<128x128xf32> to vector<64x1xf32>
    %reshape3A_96 = vector.shape_cast %slice3A_95 : vector<64x1xf32> to vector<1x64x1xf32>
    %broadcast_in_dim3A_97 = vector.shape_cast %lt3A_1 : vector<1x1x128xi1> to vector<1x1x128xi1>
    %broadcast_in_dim3A_98 = vector.broadcast %broadcast_in_dim3A_97 : vector<1x1x128xi1> to vector<1x64x128xi1>
    %broadcast_in_dim3A_99 = vector.shape_cast %reshape3A_90 : vector<1x64x1xf32> to vector<1x64x1xf32>
    %broadcast_in_dim3A_100 = vector.broadcast %broadcast_in_dim3A_99 : vector<1x64x1xf32> to vector<1x64x128xf32>
    %broadcast_in_dim3A_101 = vector.shape_cast %reshape3A_92 : vector<1x64x1xf32> to vector<1x64x1xf32>
    %broadcast_in_dim3A_102 = vector.broadcast %broadcast_in_dim3A_101 : vector<1x64x1xf32> to vector<1x64x128xf32>
    %select_n3A_103 = arith.select %broadcast_in_dim3A_98, %broadcast_in_dim3A_100, %broadcast_in_dim3A_102 : vector<1x64x128xi1>, vector<1x64x128xf32>
    %abs3A_104 = math.absf %reshape3A_94 : vector<1x64x1xf32>
    %abs3A_105 = math.absf %reshape3A_96 : vector<1x64x1xf32>
    %broadcast_in_dim3A_106 = vector.shape_cast %lt3A_1 : vector<1x1x128xi1> to vector<1x1x128xi1>
    %broadcast_in_dim3A_107 = vector.broadcast %broadcast_in_dim3A_106 : vector<1x1x128xi1> to vector<1x64x128xi1>
    %broadcast_in_dim3A_108 = vector.shape_cast %abs3A_104 : vector<1x64x1xf32> to vector<1x64x1xf32>
    %broadcast_in_dim3A_109 = vector.broadcast %broadcast_in_dim3A_108 : vector<1x64x1xf32> to vector<1x64x128xf32>
    %broadcast_in_dim3A_110 = vector.shape_cast %abs3A_105 : vector<1x64x1xf32> to vector<1x64x1xf32>
    %broadcast_in_dim3A_111 = vector.broadcast %broadcast_in_dim3A_110 : vector<1x64x1xf32> to vector<1x64x128xf32>
    %select_n3A_112 = arith.select %broadcast_in_dim3A_107, %broadcast_in_dim3A_109, %broadcast_in_dim3A_111 : vector<1x64x128xi1>, vector<1x64x128xf32>
    %mul3A_113 = arith.constant -1.44269502 : f32
    %mul3A_114 = vector.broadcast %mul3A_113 : f32 to vector<1x64x128xf32>
    %mul3A_115 = arith.mulf %select_n3A_112, %mul3A_114 : vector<1x64x128xf32>
    %mul3A_116 = vector.broadcast %mul3A_115 : vector<1x64x128xf32> to vector<64x64x128xf32>
    %mul3A_117 = arith.mulf %mul3A_116, %mul3A_21 : vector<64x64x128xf32>
    %exp23A_118 = math.exp2 %mul3A_117 : vector<64x64x128xf32>
    %mul3A_119 = vector.broadcast %select_n3A_103 : vector<1x64x128xf32> to vector<64x64x128xf32>
    %mul3A_120 = arith.mulf %mul3A_119, %exp23A_118 : vector<64x64x128xf32>
    %add3A_121 = arith.addf %add3A_88, %mul3A_120 : vector<64x64x128xf32>
    %slice3A_122 = vector.extract_strided_slice %get3A_24 {offsets = [0, 3], sizes = [64, 1], strides = [1, 1]} : vector<128x128xf32> to vector<64x1xf32>
    %reshape3A_123 = vector.shape_cast %slice3A_122 : vector<64x1xf32> to vector<1x64x1xf32>
    %slice3A_124 = vector.extract_strided_slice %get3A_24 {offsets = [64, 3], sizes = [64, 1], strides = [1, 1]} : vector<128x128xf32> to vector<64x1xf32>
    %reshape3A_125 = vector.shape_cast %slice3A_124 : vector<64x1xf32> to vector<1x64x1xf32>
    %slice3A_126 = vector.extract_strided_slice %get3A_24 {offsets = [0, 11], sizes = [64, 1], strides = [1, 1]} : vector<128x128xf32> to vector<64x1xf32>
    %reshape3A_127 = vector.shape_cast %slice3A_126 : vector<64x1xf32> to vector<1x64x1xf32>
    %slice3A_128 = vector.extract_strided_slice %get3A_24 {offsets = [64, 11], sizes = [64, 1], strides = [1, 1]} : vector<128x128xf32> to vector<64x1xf32>
    %reshape3A_129 = vector.shape_cast %slice3A_128 : vector<64x1xf32> to vector<1x64x1xf32>
    %broadcast_in_dim3A_130 = vector.shape_cast %lt3A_1 : vector<1x1x128xi1> to vector<1x1x128xi1>
    %broadcast_in_dim3A_131 = vector.broadcast %broadcast_in_dim3A_130 : vector<1x1x128xi1> to vector<1x64x128xi1>
    %broadcast_in_dim3A_132 = vector.shape_cast %reshape3A_123 : vector<1x64x1xf32> to vector<1x64x1xf32>
    %broadcast_in_dim3A_133 = vector.broadcast %broadcast_in_dim3A_132 : vector<1x64x1xf32> to vector<1x64x128xf32>
    %broadcast_in_dim3A_134 = vector.shape_cast %reshape3A_125 : vector<1x64x1xf32> to vector<1x64x1xf32>
    %broadcast_in_dim3A_135 = vector.broadcast %broadcast_in_dim3A_134 : vector<1x64x1xf32> to vector<1x64x128xf32>
    %select_n3A_136 = arith.select %broadcast_in_dim3A_131, %broadcast_in_dim3A_133, %broadcast_in_dim3A_135 : vector<1x64x128xi1>, vector<1x64x128xf32>
    %abs3A_137 = math.absf %reshape3A_127 : vector<1x64x1xf32>
    %abs3A_138 = math.absf %reshape3A_129 : vector<1x64x1xf32>
    %broadcast_in_dim3A_139 = vector.shape_cast %lt3A_1 : vector<1x1x128xi1> to vector<1x1x128xi1>
    %broadcast_in_dim3A_140 = vector.broadcast %broadcast_in_dim3A_139 : vector<1x1x128xi1> to vector<1x64x128xi1>
    %broadcast_in_dim3A_141 = vector.shape_cast %abs3A_137 : vector<1x64x1xf32> to vector<1x64x1xf32>
    %broadcast_in_dim3A_142 = vector.broadcast %broadcast_in_dim3A_141 : vector<1x64x1xf32> to vector<1x64x128xf32>
    %broadcast_in_dim3A_143 = vector.shape_cast %abs3A_138 : vector<1x64x1xf32> to vector<1x64x1xf32>
    %broadcast_in_dim3A_144 = vector.broadcast %broadcast_in_dim3A_143 : vector<1x64x1xf32> to vector<1x64x128xf32>
    %select_n3A_145 = arith.select %broadcast_in_dim3A_140, %broadcast_in_dim3A_142, %broadcast_in_dim3A_144 : vector<1x64x128xi1>, vector<1x64x128xf32>
    %mul3A_146 = arith.constant -1.44269502 : f32
    %mul3A_147 = vector.broadcast %mul3A_146 : f32 to vector<1x64x128xf32>
    %mul3A_148 = arith.mulf %select_n3A_145, %mul3A_147 : vector<1x64x128xf32>
    %mul3A_149 = vector.broadcast %mul3A_148 : vector<1x64x128xf32> to vector<64x64x128xf32>
    %mul3A_150 = arith.mulf %mul3A_149, %mul3A_21 : vector<64x64x128xf32>
    %exp23A_151 = math.exp2 %mul3A_150 : vector<64x64x128xf32>
    %mul3A_152 = vector.broadcast %select_n3A_136 : vector<1x64x128xf32> to vector<64x64x128xf32>
    %mul3A_153 = arith.mulf %mul3A_152, %exp23A_151 : vector<64x64x128xf32>
    %add3A_154 = arith.addf %add3A_121, %mul3A_153 : vector<64x64x128xf32>
    %slice3A_155 = vector.extract_strided_slice %get3A_24 {offsets = [0, 4], sizes = [64, 1], strides = [1, 1]} : vector<128x128xf32> to vector<64x1xf32>
    %reshape3A_156 = vector.shape_cast %slice3A_155 : vector<64x1xf32> to vector<1x64x1xf32>
    %slice3A_157 = vector.extract_strided_slice %get3A_24 {offsets = [64, 4], sizes = [64, 1], strides = [1, 1]} : vector<128x128xf32> to vector<64x1xf32>
    %reshape3A_158 = vector.shape_cast %slice3A_157 : vector<64x1xf32> to vector<1x64x1xf32>
    %slice3A_159 = vector.extract_strided_slice %get3A_24 {offsets = [0, 12], sizes = [64, 1], strides = [1, 1]} : vector<128x128xf32> to vector<64x1xf32>
    %reshape3A_160 = vector.shape_cast %slice3A_159 : vector<64x1xf32> to vector<1x64x1xf32>
    %slice3A_161 = vector.extract_strided_slice %get3A_24 {offsets = [64, 12], sizes = [64, 1], strides = [1, 1]} : vector<128x128xf32> to vector<64x1xf32>
    %reshape3A_162 = vector.shape_cast %slice3A_161 : vector<64x1xf32> to vector<1x64x1xf32>
    %broadcast_in_dim3A_163 = vector.shape_cast %lt3A_1 : vector<1x1x128xi1> to vector<1x1x128xi1>
    %broadcast_in_dim3A_164 = vector.broadcast %broadcast_in_dim3A_163 : vector<1x1x128xi1> to vector<1x64x128xi1>
    %broadcast_in_dim3A_165 = vector.shape_cast %reshape3A_156 : vector<1x64x1xf32> to vector<1x64x1xf32>
    %broadcast_in_dim3A_166 = vector.broadcast %broadcast_in_dim3A_165 : vector<1x64x1xf32> to vector<1x64x128xf32>
    %broadcast_in_dim3A_167 = vector.shape_cast %reshape3A_158 : vector<1x64x1xf32> to vector<1x64x1xf32>
    %broadcast_in_dim3A_168 = vector.broadcast %broadcast_in_dim3A_167 : vector<1x64x1xf32> to vector<1x64x128xf32>
    %select_n3A_169 = arith.select %broadcast_in_dim3A_164, %broadcast_in_dim3A_166, %broadcast_in_dim3A_168 : vector<1x64x128xi1>, vector<1x64x128xf32>
    %abs3A_170 = math.absf %reshape3A_160 : vector<1x64x1xf32>
    %abs3A_171 = math.absf %reshape3A_162 : vector<1x64x1xf32>
    %broadcast_in_dim3A_172 = vector.shape_cast %lt3A_1 : vector<1x1x128xi1> to vector<1x1x128xi1>
    %broadcast_in_dim3A_173 = vector.broadcast %broadcast_in_dim3A_172 : vector<1x1x128xi1> to vector<1x64x128xi1>
    %broadcast_in_dim3A_174 = vector.shape_cast %abs3A_170 : vector<1x64x1xf32> to vector<1x64x1xf32>
    %broadcast_in_dim3A_175 = vector.broadcast %broadcast_in_dim3A_174 : vector<1x64x1xf32> to vector<1x64x128xf32>
    %broadcast_in_dim3A_176 = vector.shape_cast %abs3A_171 : vector<1x64x1xf32> to vector<1x64x1xf32>
    %broadcast_in_dim3A_177 = vector.broadcast %broadcast_in_dim3A_176 : vector<1x64x1xf32> to vector<1x64x128xf32>
    %select_n3A_178 = arith.select %broadcast_in_dim3A_173, %broadcast_in_dim3A_175, %broadcast_in_dim3A_177 : vector<1x64x128xi1>, vector<1x64x128xf32>
    %mul3A_179 = arith.constant -1.44269502 : f32
    %mul3A_180 = vector.broadcast %mul3A_179 : f32 to vector<1x64x128xf32>
    %mul3A_181 = arith.mulf %select_n3A_178, %mul3A_180 : vector<1x64x128xf32>
    %mul3A_182 = vector.broadcast %mul3A_181 : vector<1x64x128xf32> to vector<64x64x128xf32>
    %mul3A_183 = arith.mulf %mul3A_182, %mul3A_21 : vector<64x64x128xf32>
    %exp23A_184 = math.exp2 %mul3A_183 : vector<64x64x128xf32>
    %mul3A_185 = vector.broadcast %select_n3A_169 : vector<1x64x128xf32> to vector<64x64x128xf32>
    %mul3A_186 = arith.mulf %mul3A_185, %exp23A_184 : vector<64x64x128xf32>
    %add3A_187 = arith.addf %add3A_154, %mul3A_186 : vector<64x64x128xf32>
    %slice3A_188 = vector.extract_strided_slice %get3A_24 {offsets = [0, 5], sizes = [64, 1], strides = [1, 1]} : vector<128x128xf32> to vector<64x1xf32>
    %reshape3A_189 = vector.shape_cast %slice3A_188 : vector<64x1xf32> to vector<1x64x1xf32>
    %slice3A_190 = vector.extract_strided_slice %get3A_24 {offsets = [64, 5], sizes = [64, 1], strides = [1, 1]} : vector<128x128xf32> to vector<64x1xf32>
    %reshape3A_191 = vector.shape_cast %slice3A_190 : vector<64x1xf32> to vector<1x64x1xf32>
    %slice3A_192 = vector.extract_strided_slice %get3A_24 {offsets = [0, 13], sizes = [64, 1], strides = [1, 1]} : vector<128x128xf32> to vector<64x1xf32>
    %reshape3A_193 = vector.shape_cast %slice3A_192 : vector<64x1xf32> to vector<1x64x1xf32>
    %slice3A_194 = vector.extract_strided_slice %get3A_24 {offsets = [64, 13], sizes = [64, 1], strides = [1, 1]} : vector<128x128xf32> to vector<64x1xf32>
    %reshape3A_195 = vector.shape_cast %slice3A_194 : vector<64x1xf32> to vector<1x64x1xf32>
    %broadcast_in_dim3A_196 = vector.shape_cast %lt3A_1 : vector<1x1x128xi1> to vector<1x1x128xi1>
    %broadcast_in_dim3A_197 = vector.broadcast %broadcast_in_dim3A_196 : vector<1x1x128xi1> to vector<1x64x128xi1>
    %broadcast_in_dim3A_198 = vector.shape_cast %reshape3A_189 : vector<1x64x1xf32> to vector<1x64x1xf32>
    %broadcast_in_dim3A_199 = vector.broadcast %broadcast_in_dim3A_198 : vector<1x64x1xf32> to vector<1x64x128xf32>
    %broadcast_in_dim3A_200 = vector.shape_cast %reshape3A_191 : vector<1x64x1xf32> to vector<1x64x1xf32>
    %broadcast_in_dim3A_201 = vector.broadcast %broadcast_in_dim3A_200 : vector<1x64x1xf32> to vector<1x64x128xf32>
    %select_n3A_202 = arith.select %broadcast_in_dim3A_197, %broadcast_in_dim3A_199, %broadcast_in_dim3A_201 : vector<1x64x128xi1>, vector<1x64x128xf32>
    %abs3A_203 = math.absf %reshape3A_193 : vector<1x64x1xf32>
    %abs3A_204 = math.absf %reshape3A_195 : vector<1x64x1xf32>
    %broadcast_in_dim3A_205 = vector.shape_cast %lt3A_1 : vector<1x1x128xi1> to vector<1x1x128xi1>
    %broadcast_in_dim3A_206 = vector.broadcast %broadcast_in_dim3A_205 : vector<1x1x128xi1> to vector<1x64x128xi1>
    %broadcast_in_dim3A_207 = vector.shape_cast %abs3A_203 : vector<1x64x1xf32> to vector<1x64x1xf32>
    %broadcast_in_dim3A_208 = vector.broadcast %broadcast_in_dim3A_207 : vector<1x64x1xf32> to vector<1x64x128xf32>
    %broadcast_in_dim3A_209 = vector.shape_cast %abs3A_204 : vector<1x64x1xf32> to vector<1x64x1xf32>
    %broadcast_in_dim3A_210 = vector.broadcast %broadcast_in_dim3A_209 : vector<1x64x1xf32> to vector<1x64x128xf32>
    %select_n3A_211 = arith.select %broadcast_in_dim3A_206, %broadcast_in_dim3A_208, %broadcast_in_dim3A_210 : vector<1x64x128xi1>, vector<1x64x128xf32>
    %mul3A_212 = arith.constant -1.44269502 : f32
    %mul3A_213 = vector.broadcast %mul3A_212 : f32 to vector<1x64x128xf32>
    %mul3A_214 = arith.mulf %select_n3A_211, %mul3A_213 : vector<1x64x128xf32>
    %mul3A_215 = vector.broadcast %mul3A_214 : vector<1x64x128xf32> to vector<64x64x128xf32>
    %mul3A_216 = arith.mulf %mul3A_215, %mul3A_21 : vector<64x64x128xf32>
    %exp23A_217 = math.exp2 %mul3A_216 : vector<64x64x128xf32>
    %mul3A_218 = vector.broadcast %select_n3A_202 : vector<1x64x128xf32> to vector<64x64x128xf32>
    %mul3A_219 = arith.mulf %mul3A_218, %exp23A_217 : vector<64x64x128xf32>
    %add3A_220 = arith.addf %add3A_187, %mul3A_219 : vector<64x64x128xf32>
    %slice3A_221 = vector.extract_strided_slice %get3A_24 {offsets = [0, 6], sizes = [64, 1], strides = [1, 1]} : vector<128x128xf32> to vector<64x1xf32>
    %reshape3A_222 = vector.shape_cast %slice3A_221 : vector<64x1xf32> to vector<1x64x1xf32>
    %slice3A_223 = vector.extract_strided_slice %get3A_24 {offsets = [64, 6], sizes = [64, 1], strides = [1, 1]} : vector<128x128xf32> to vector<64x1xf32>
    %reshape3A_224 = vector.shape_cast %slice3A_223 : vector<64x1xf32> to vector<1x64x1xf32>
    %slice3A_225 = vector.extract_strided_slice %get3A_24 {offsets = [0, 14], sizes = [64, 1], strides = [1, 1]} : vector<128x128xf32> to vector<64x1xf32>
    %reshape3A_226 = vector.shape_cast %slice3A_225 : vector<64x1xf32> to vector<1x64x1xf32>
    %slice3A_227 = vector.extract_strided_slice %get3A_24 {offsets = [64, 14], sizes = [64, 1], strides = [1, 1]} : vector<128x128xf32> to vector<64x1xf32>
    %reshape3A_228 = vector.shape_cast %slice3A_227 : vector<64x1xf32> to vector<1x64x1xf32>
    %broadcast_in_dim3A_229 = vector.shape_cast %lt3A_1 : vector<1x1x128xi1> to vector<1x1x128xi1>
    %broadcast_in_dim3A_230 = vector.broadcast %broadcast_in_dim3A_229 : vector<1x1x128xi1> to vector<1x64x128xi1>
    %broadcast_in_dim3A_231 = vector.shape_cast %reshape3A_222 : vector<1x64x1xf32> to vector<1x64x1xf32>
    %broadcast_in_dim3A_232 = vector.broadcast %broadcast_in_dim3A_231 : vector<1x64x1xf32> to vector<1x64x128xf32>
    %broadcast_in_dim3A_233 = vector.shape_cast %reshape3A_224 : vector<1x64x1xf32> to vector<1x64x1xf32>
    %broadcast_in_dim3A_234 = vector.broadcast %broadcast_in_dim3A_233 : vector<1x64x1xf32> to vector<1x64x128xf32>
    %select_n3A_235 = arith.select %broadcast_in_dim3A_230, %broadcast_in_dim3A_232, %broadcast_in_dim3A_234 : vector<1x64x128xi1>, vector<1x64x128xf32>
    %abs3A_236 = math.absf %reshape3A_226 : vector<1x64x1xf32>
    %abs3A_237 = math.absf %reshape3A_228 : vector<1x64x1xf32>
    %broadcast_in_dim3A_238 = vector.shape_cast %lt3A_1 : vector<1x1x128xi1> to vector<1x1x128xi1>
    %broadcast_in_dim3A_239 = vector.broadcast %broadcast_in_dim3A_238 : vector<1x1x128xi1> to vector<1x64x128xi1>
    %broadcast_in_dim3A_240 = vector.shape_cast %abs3A_236 : vector<1x64x1xf32> to vector<1x64x1xf32>
    %broadcast_in_dim3A_241 = vector.broadcast %broadcast_in_dim3A_240 : vector<1x64x1xf32> to vector<1x64x128xf32>
    %broadcast_in_dim3A_242 = vector.shape_cast %abs3A_237 : vector<1x64x1xf32> to vector<1x64x1xf32>
    %broadcast_in_dim3A_243 = vector.broadcast %broadcast_in_dim3A_242 : vector<1x64x1xf32> to vector<1x64x128xf32>
    %select_n3A_244 = arith.select %broadcast_in_dim3A_239, %broadcast_in_dim3A_241, %broadcast_in_dim3A_243 : vector<1x64x128xi1>, vector<1x64x128xf32>
    %mul3A_245 = arith.constant -1.44269502 : f32
    %mul3A_246 = vector.broadcast %mul3A_245 : f32 to vector<1x64x128xf32>
    %mul3A_247 = arith.mulf %select_n3A_244, %mul3A_246 : vector<1x64x128xf32>
    %mul3A_248 = vector.broadcast %mul3A_247 : vector<1x64x128xf32> to vector<64x64x128xf32>
    %mul3A_249 = arith.mulf %mul3A_248, %mul3A_21 : vector<64x64x128xf32>
    %exp23A_250 = math.exp2 %mul3A_249 : vector<64x64x128xf32>
    %mul3A_251 = vector.broadcast %select_n3A_235 : vector<1x64x128xf32> to vector<64x64x128xf32>
    %mul3A_252 = arith.mulf %mul3A_251, %exp23A_250 : vector<64x64x128xf32>
    %add3A_253 = arith.addf %add3A_220, %mul3A_252 : vector<64x64x128xf32>
    %slice3A_254 = vector.extract_strided_slice %get3A_24 {offsets = [0, 7], sizes = [64, 1], strides = [1, 1]} : vector<128x128xf32> to vector<64x1xf32>
    %reshape3A_255 = vector.shape_cast %slice3A_254 : vector<64x1xf32> to vector<1x64x1xf32>
    %slice3A_256 = vector.extract_strided_slice %get3A_24 {offsets = [64, 7], sizes = [64, 1], strides = [1, 1]} : vector<128x128xf32> to vector<64x1xf32>
    %reshape3A_257 = vector.shape_cast %slice3A_256 : vector<64x1xf32> to vector<1x64x1xf32>
    %slice3A_258 = vector.extract_strided_slice %get3A_24 {offsets = [0, 15], sizes = [64, 1], strides = [1, 1]} : vector<128x128xf32> to vector<64x1xf32>
    %reshape3A_259 = vector.shape_cast %slice3A_258 : vector<64x1xf32> to vector<1x64x1xf32>
    %slice3A_260 = vector.extract_strided_slice %get3A_24 {offsets = [64, 15], sizes = [64, 1], strides = [1, 1]} : vector<128x128xf32> to vector<64x1xf32>
    %reshape3A_261 = vector.shape_cast %slice3A_260 : vector<64x1xf32> to vector<1x64x1xf32>
    %broadcast_in_dim3A_262 = vector.shape_cast %lt3A_1 : vector<1x1x128xi1> to vector<1x1x128xi1>
    %broadcast_in_dim3A_263 = vector.broadcast %broadcast_in_dim3A_262 : vector<1x1x128xi1> to vector<1x64x128xi1>
    %broadcast_in_dim3A_264 = vector.shape_cast %reshape3A_255 : vector<1x64x1xf32> to vector<1x64x1xf32>
    %broadcast_in_dim3A_265 = vector.broadcast %broadcast_in_dim3A_264 : vector<1x64x1xf32> to vector<1x64x128xf32>
    %broadcast_in_dim3A_266 = vector.shape_cast %reshape3A_257 : vector<1x64x1xf32> to vector<1x64x1xf32>
    %broadcast_in_dim3A_267 = vector.broadcast %broadcast_in_dim3A_266 : vector<1x64x1xf32> to vector<1x64x128xf32>
    %select_n3A_268 = arith.select %broadcast_in_dim3A_263, %broadcast_in_dim3A_265, %broadcast_in_dim3A_267 : vector<1x64x128xi1>, vector<1x64x128xf32>
    %abs3A_269 = math.absf %reshape3A_259 : vector<1x64x1xf32>
    %abs3A_270 = math.absf %reshape3A_261 : vector<1x64x1xf32>
    %broadcast_in_dim3A_271 = vector.shape_cast %lt3A_1 : vector<1x1x128xi1> to vector<1x1x128xi1>
    %broadcast_in_dim3A_272 = vector.broadcast %broadcast_in_dim3A_271 : vector<1x1x128xi1> to vector<1x64x128xi1>
    %broadcast_in_dim3A_273 = vector.shape_cast %abs3A_269 : vector<1x64x1xf32> to vector<1x64x1xf32>
    %broadcast_in_dim3A_274 = vector.broadcast %broadcast_in_dim3A_273 : vector<1x64x1xf32> to vector<1x64x128xf32>
    %broadcast_in_dim3A_275 = vector.shape_cast %abs3A_270 : vector<1x64x1xf32> to vector<1x64x1xf32>
    %broadcast_in_dim3A_276 = vector.broadcast %broadcast_in_dim3A_275 : vector<1x64x1xf32> to vector<1x64x128xf32>
    %select_n3A_277 = arith.select %broadcast_in_dim3A_272, %broadcast_in_dim3A_274, %broadcast_in_dim3A_276 : vector<1x64x128xi1>, vector<1x64x128xf32>
    %mul3A_278 = arith.constant -1.44269502 : f32
    %mul3A_279 = vector.broadcast %mul3A_278 : f32 to vector<1x64x128xf32>
    %mul3A_280 = arith.mulf %select_n3A_277, %mul3A_279 : vector<1x64x128xf32>
    %mul3A_281 = vector.broadcast %mul3A_280 : vector<1x64x128xf32> to vector<64x64x128xf32>
    %mul3A_282 = arith.mulf %mul3A_281, %mul3A_21 : vector<64x64x128xf32>
    %exp23A_283 = math.exp2 %mul3A_282 : vector<64x64x128xf32>
    %mul3A_284 = vector.broadcast %select_n3A_268 : vector<1x64x128xf32> to vector<64x64x128xf32>
    %mul3A_285 = arith.mulf %mul3A_284, %exp23A_283 : vector<64x64x128xf32>
    %add3A_286 = arith.addf %add3A_253, %mul3A_285 : vector<64x64x128xf32>
    %slice3A_287 = vector.extract_strided_slice %add3A_286 {offsets = [0, 0, 0], sizes = [64, 64, 64], strides = [1, 1, 1]} : vector<64x64x128xf32> to vector<64x64x64xf32>
    %swap3A = arith.constant 0 : index
    %swap3A_288 = arith.constant 0 : index
    %swap3A_289 = arith.constant 0 : index
    %swap3A_290 = arith.constant 0 : index
    %swap3A_291 = vector.load %arg4[%swap3A, %swap3A_288, %swap3A_289, %swap3A_290] : memref<2x64x64x64xf32, #tpu.memory_space<vmem>>, vector<1x64x64x64xf32>
    %swap3A_292 = vector.shape_cast %swap3A_291 : vector<1x64x64x64xf32> to vector<64x64x64xf32>
    %swap3A_293 = vector.shape_cast %slice3A_287 : vector<64x64x64xf32> to vector<1x64x64x64xf32>
    tpu.vector_store %arg4[%swap3A, %swap3A_288, %swap3A_289, %swap3A_290], %swap3A_293 {strides = array<i32>} : memref<2x64x64x64xf32, #tpu.memory_space<vmem>>, vector<1x64x64x64xf32>,
    %slice3A_294 = vector.extract_strided_slice %add3A_286 {offsets = [0, 0, 64], sizes = [64, 64, 64], strides = [1, 1, 1]} : vector<64x64x128xf32> to vector<64x64x64xf32>
    %swap3A_295 = arith.constant 1 : index
    %swap3A_296 = arith.constant 0 : index
    %swap3A_297 = arith.constant 0 : index
    %swap3A_298 = arith.constant 0 : index
    %swap3A_299 = vector.load %arg4[%swap3A_295, %swap3A_296, %swap3A_297, %swap3A_298] : memref<2x64x64x64xf32, #tpu.memory_space<vmem>>, vector<1x64x64x64xf32>
    %swap3A_300 = vector.shape_cast %swap3A_299 : vector<1x64x64x64xf32> to vector<64x64x64xf32>
    %swap3A_301 = vector.shape_cast %slice3A_294 : vector<64x64x64xf32> to vector<1x64x64x64xf32>
    tpu.vector_store %arg4[%swap3A_295, %swap3A_296, %swap3A_297, %swap3A_298], %swap3A_301 {strides = array<i32>} : memref<2x64x64x64xf32, #tpu.memory_space<vmem>>, vector<1x64x64x64xf32>,
    return
  }
  func.func @transform_0(%arg0: i32, %arg1: i32) -> (i32, i32, i32) {
    %c0_i32 = arith.constant 0 : i32
    %c0_i32_0 = arith.constant 0 : i32
    return %arg0, %arg1, %c0_i32 : i32, i32, i32
  }
  func.func @transform_1(%arg0: i32, %arg1: i32) -> (i32, i32) {
    %c0_i32 = arith.constant 0 : i32
    %c0_i32_0 = arith.constant 0 : i32
    return %arg0, %c0_i32 : i32, i32
  }
  func.func @transform_2(%arg0: i32, %arg1: i32) -> (i32, i32, i32, i32) {
    %c0_i32 = arith.constant 0 : i32
    %c0_i32_0 = arith.constant 0 : i32
    %c0_i32_1 = arith.constant 0 : i32
    return %arg0, %arg1, %c0_i32, %c0_i32_0 : i32, i32, i32, i32
  }
}

</mosaic_0001>

<sc_bundles>
// kernel: kernel.4.cloned.1.call-start
scs
__scs_entry_jumppad:
0x0: {  	(pc) =	sbr.rel $0x88, $3  }
0x1: {  	(tag) =	ssettag $0x0;
	lr =	simm.s32 $0x1  }
0x2: {  	[smem:$0x3F9D] =	sst lr;
	_ =	strace $0xD0000000  }
0x3: {  	_ = 	snop  }
0x4: {  	_ = 	snop  }
0x5: {  	_ = 	snop  }
0x6: {  	_ = 	snop  }
0x7: {  	_ = 	snop  }
__scs_overlays_trampoline_lowered:
0x8: {  	[smem:$0x3FAC] =	sst s0  }
0x9: {  	[smem:$0x3FAD] =	sst s1  }
0xa: {  	[smem:$0x3FAE] =	sst s2  }
0xb: {  	[smem:$0x3FAF] =	sst s3  }
0xc: {  	[smem:$0x3FB0] =	sst s4  }
0xd: {  	[smem:$0x3FB1] =	sst s5  }
0xe: {  	[smem:$0x3FB2] =	sst s6  }
0xf: {  	[smem:$0x3FB3] =	sst s7  }
0x10: {  	[smem:$0x3FB4] =	sst s8  }
0x11: {  	[smem:$0x3FB5] =	sst s9;
	s0 =	simm.s32 @!p0 $0x0  }
0x12: {  	s1 =	sld [smem:$0x3F9B];
	s0 =	simm.s32 @p0 $0x1  }
0x13: {  	[smem:$0x3FB6] =	sst s0;
	s0 =	simm.s32 @!p1 $0x0  }
0x14: {  	s2 =	sld [smem:$0x3F9A];
	s0 =	simm.s32 @p1 $0x1  }
0x15: {  	[smem:$0x3FB7] =	sst s0;
	s0 =	simm.s32 @!p2 $0x0  }
0x16: {  	s3 =	sld [smem:$0x3FDB];
	s0 =	simm.s32 @p2 $0x1  }
0x17: {  	s4 =	simm.s32 $0x1BF5;
	[smem:$0x3FB9] =	sst s0  }
0x18: {  	s0 =	sld [smem:$0x3F9C];
	_ =	swait.ge [sflag:s4], $0x0  }
0x19: {  	s7 =	sld [smem:$0x3F9D]  }
0x1a: {  	s8 =	sadd.s32 $0xFFFFE003, lr  }
0x1b: {  	s9 =	sadd.s32 $0xFFFFFEF7, lr;
	s5 =	simm.s32 $0xFFFFFFFF;
	p2 =	slt.u32 s8, $0xFFFFF086  }
0x1c: {  	p1 =	slt.u32 s9, $0xF7A;
	s5 =	simm.s32 @!p2 $0x0  }
0x1d: {  	s5 =	simm.s32 @p1 $0x1;
	p0 =	seq.s32 s7, s2  }
0x1e: {  	s7 =	smul.u32 @!p0 $0xF7A, s2;
	p2 =	seq.s32 @!p0 s5, $0x0  }
0x1f: {  	s9 =	smul.u32 $0xF7A, s1;
	s8 =	simm.s32 @!p0 $0x1BF5;
	p2 =	por !p2, p0  }
0x20: {  	[sflag:s8] =	ssyncset.s32 @!p0 $0xFFFFF086;
	s6 =	sadd.s32 @!p0 s3, s7;
	s7 =	simm.s32 @!p0 $0x108  }
0x21: {  	s3 =	sadd.s32 s3, s9;
	s6 =	sadd.s32 @!p0 $0x88, s6;
	s7 =	simm.s32 @p2 $0x1082  }
0x22: {  	[simem:s7], [sflag:s8] =	dma.local @!p0 [hbm:s6], $0xF7A  }
0x23: {  	s9 =	sor.u32 $0xD0000000, s2;
	s6 =	simm.s32 $0x108;
	_ =	swait.ge @!p0 [sflag:s8], $0x0  }
0x24: {  	s3 =	sadd.s32 $0x88, s3;
	s6 =	simm.s32 @!p1 $0x1082;
	[sflag:s4] =	ssyncset.s32 $0xFFFFF086  }
0x25: {  	[simem:s6], [sflag:s4] =	dma.local [hbm:s3], $0xF7A  }
0x26: {  	[smem:$0x3F9D] =	sst s1;
	(tag) =	ssettag s2;
	_ =	strace s9  }
0x27: {  	s1 =	sld [smem:$0x3FAD]  }
0x28: {  	s2 =	sld [smem:$0x3FAE]  }
0x29: {  	s4 =	sld [smem:$0x3FB0]  }
0x2a: {  	p0 =	seq.s32 s5, $0x0;
	s5 =	sld [smem:$0x3FB1]  }
0x2b: {  	s6 =	sld [smem:$0x3FB2]  }
0x2c: {  	s7 =	sld [smem:$0x3FB3]  }
0x2d: {  	s3 =	simm.s32 $0x108;
	s8 =	sld [smem:$0x3FB4]  }
0x2e: {  	s3 =	simm.s32 @!p0 $0x1082;
	s9 =	sld [smem:$0x3FB5]  }
0x2f: {  	lr =	sadd.s32 s0, s3;
	s0 =	sld [smem:$0x3FAC]  }
0x30: {  	s3 =	sld [smem:$0x3FAF]  }
0x31: {  	[smem:$0x3FB8] =	sst s10  }
0x32: {  	s10 =	sld [smem:$0x3FB6];
	_ =	sdelay $0x3  }
0x33: {  	p0 =	seq.s32 s10, $0x1;
	s10 =	sld [smem:$0x3FB8];
	_ =	sdelay $0x3  }
0x34: {  	[smem:$0x3FB8] =	sst s10  }
0x35: {  	s10 =	sld [smem:$0x3FB7];
	_ =	sdelay $0x3  }
0x36: {  	p1 =	seq.s32 s10, $0x1;
	s10 =	sld [smem:$0x3FB8];
	_ =	sdelay $0x3  }
0x37: {  	[smem:$0x3FB8] =	sst s10  }
0x38: {  	s10 =	sld [smem:$0x3FB9]  }
0x39: {  	_ = 	snop;
	(pc) =	sbr.ind lr, $3  }
0x3a: {  	_ = 	snop  }
0x3b: {  	_ = 	snop  }
0x3c: {  	p2 =	seq.s32 s10, $0x1;
	s10 =	sld [smem:$0x3FB8]  }
0x3d: {  	_ =	shalt  }
0x3e: {  	_ =	shalt  }
0x3f: {  	_ =	shalt  }
0x40: {  	_ =	shalt  }
0x41: {  	_ =	shalt  }
0x42: {  	_ =	shalt  }
0x43: {  	_ =	shalt  }
0x44: {  	_ =	shalt  }
0x45: {  	_ =	shalt  }
0x46: {  	_ =	shalt  }
0x47: {  	_ =	shalt  }
0x48: {  	_ =	shalt  }
0x49: {  	_ =	shalt  }
0x4a: {  	_ =	shalt  }
0x4b: {  	_ =	shalt  }
0x4c: {  	_ =	shalt  }
0x4d: {  	_ =	shalt  }
0x4e: {  	_ =	shalt  }
0x4f: {  	_ =	shalt  }
0x50: {  	_ =	shalt  }
0x51: {  	_ =	shalt  }
0x52: {  	_ =	shalt  }
0x53: {  	_ =	shalt  }
0x54: {  	_ =	shalt  }
0x55: {  	_ =	shalt  }
0x56: {  	_ =	shalt  }
0x57: {  	_ =	shalt  }
0x58: {  	_ =	shalt  }
0x59: {  	_ =	shalt  }
0x5a: {  	_ =	shalt  }
0x5b: {  	_ =	shalt  }
0x5c: {  	_ =	shalt  }
0x5d: {  	_ =	shalt  }
0x5e: {  	_ =	shalt  }
0x5f: {  	_ =	shalt  }
0x60: {  	_ =	shalt  }
0x61: {  	_ =	shalt  }
0x62: {  	_ =	shalt  }
0x63: {  	_ =	shalt  }
0x64: {  	_ =	shalt  }
0x65: {  	_ =	shalt  }
0x66: {  	_ =	shalt  }
0x67: {  	_ =	shalt  }
0x68: {  	_ =	shalt  }
0x69: {  	_ =	shalt  }
0x6a: {  	_ =	shalt  }
0x6b: {  	_ =	shalt  }
0x6c: {  	_ =	shalt  }
0x6d: {  	_ =	shalt  }
0x6e: {  	_ =	shalt  }
0x6f: {  	_ =	shalt  }
0x70: {  	_ =	shalt  }
0x71: {  	_ =	shalt  }
0x72: {  	_ =	shalt  }
0x73: {  	_ =	shalt  }
0x74: {  	_ =	shalt  }
0x75: {  	_ =	shalt  }
0x76: {  	_ =	shalt  }
0x77: {  	_ =	shalt  }
0x78: {  	_ =	shalt  }
0x79: {  	_ =	shalt  }
0x7a: {  	_ =	shalt  }
0x7b: {  	_ =	shalt  }
0x7c: {  	_ =	shalt  }
0x7d: {  	_ =	shalt  }
0x7e: {  	_ =	shalt  }
0x7f: {  	_ =	shalt  }
0x80: {  	_ =	shalt  }
0x81: {  	_ =	shalt  }
0x82: {  	_ =	shalt  }
0x83: {  	_ =	shalt  }
0x84: {  	_ =	shalt  }
0x85: {  	_ =	shalt  }
0x86: {  	_ =	shalt  }
0x87: {  	_ =	shalt  }
.Lfunc_end0:
.L_simem_size_0:
called_computation_lowered:
.L_overlay_start_0:
0x88: {  	s2 =	sld [smem:$0x3FD9]  }
0x89: {  	s3 =	sld [smem:$0x3FFE];
	_ =	sdelay $0x1  }
0x8a: {  	s1 =	srdreg.scid  }
0x8b: {  	s0 =	sand.u32 $0x1, s1  }
0x8c: {  	s17 =	sshll.u32 s0, $0xA;
	s2 =	sadd.s32 s3, s2  }
0x8d: {  	s2 =	sadd.s32 s2, s17  }
0x8e: {  	[smem:$0x3FC4] =	sst s2  }
0x8f: {  	_ = 	snop  }
0x90: {  	s2 =	sld [smem:$0x3FD0];
	(tm) =	ssettm $0x1  }
0x91: {  	s18 =	sld [smem:$0x3FFB];
	_ =	sdelay $0x3  }
0x92: {  	_ =	strace s18  }
0x93: {  	s3 =	sld [smem:$0x3FFC];
	_ =	sdelay $0x3  }
0x94: {  	_ =	strace s3  }
0x95: {  	s3 =	sld [smem:$0x3FFD];
	_ =	sdelay $0x3  }
0x96: {  	_ =	strace s3  }
0x97: {  	_ =	strace $0x8FFFFFFF  }
0x98: {  	s19 =	sld [smem:$0x3FDB];
	_ =	sdelay $0x1  }
0x99: {  	s4 =	simm.s32 $_scs_section_size  }
0x9a: {  	s5 =	simm.s32 $_size__tile_overlayer_lowered;
	s6 =	simm.s32 $_tile_overlayer_lowered  }
0x9b: {  	s22 =	simm.s32 $0x1BFF;
	s21 =	sshll.u32 s6, $0x1;
	s3 =	sadd.s32 s4, s19  }
0x9c: {  	s7 =	simm.s32 $0x0;
	s20 =	sshll.u32 s5, $0x1;
	s5 =	sadd.s32 s21, s3  }
0x9d: {  	[timem:s7], [sflag:s22] =	dma.local [hbm:s5], s20  }
0x9e: {  	_ =	swait.ge [sflag:s22], s20  }
0x9f: {  	s4 =	ssub.s32 $0x0, s20;
	[sflag:s22] =	ssyncset.done $0x0  }
0xa0: {  	[sflag:s22] =	ssyncadd.s32 s4;
	_ =	sdelay $0x1  }
0xa1: {  	s23 =	simm.s32 $0x1B8B  }
0xa2: {  	_ =	swait.ge [sflag:s23], $0x1  }
0xa3: {  	[sflag:s23] =	ssyncset.done $0x0  }
0xa4: {  	s25 =	simm.s32 $0x1B8E;
	s24 =	sld [smem:$0x3FFE];
	[sflag:s23] =	ssyncadd.s32 $0xFFFFFFFF  }
0xa5: {  	s26 =	simm.s32 $execute0_lowered;
	[smem:$0x3FD2] =	sst s25  }
0xa6: {  	s5 =	sshll.u32 s26, $0x1;
	_ =	strace $0x80000046;
	[dreg:$0x1] =	wrdreg $0xFFFFFFFF  }
0xa7: {  	s28 =	simm.s32 $_size_execute0_lowered;
	s3 =	sadd.s32 s3, s5;
	[dreg:$0x0] =	wrdreg $0x0  }
0xa8: {  	s5 =	sshll.u32 s28, $0x1;
	[dreg:$0x2] =	wrdreg s3  }
0xa9: {  	[dreg:$0x3] =	wrdreg s5  }
0xaa: {  	[dreg:$0x4] =	wrdreg $0xC0  }
0xab: {  	_ =	task [dreg:s7], $0x5FFFF  }
0xac: {  	[dreg:$0x1] =	wrdreg $0xFFFFFFFF  }
0xad: {  	[dreg:$0x0] =	wrdreg $0x60  }
0xae: {  	[dreg:$0x2] =	wrdreg s24  }
0xaf: {  	[dreg:$0x3] =	wrdreg s2  }
0xb0: {  	[dreg:$0x4] =	wrdreg $0x9  }
0xb1: {  	_ =	task.clear_ibuf [dreg:s7], $0x5FFFF;
	_ =	strace $0x90000046  }
0xb2: {  	s29 =	simm.s32 $0x9;
	_ =	strace $0x80000048  }
0xb3: {  	_ =	swait.ge [sflag:s29], $0x1  }
0xb4: {  	[sflag:s29] =	ssyncadd.s32 $0xFFFFFFFF  }
0xb5: {  	_ =	strace $0x90000048  }
0xb6: {  	_ =	sfence  }
0xb7: {  	s30 =	sld [smem:$0x0];
	_ =	sdelay $0x2  }
0xb8: {  	s31 =	sshll.u32 s1, $0xD;
	s1 =	sshrl.u32 s1, $0x2  }
0xb9: {  	s3 =	sand.u32 $0x4000, s31;
	s1 =	sadd.s32 s1, s30  }
0xba: {  	s0 =	sor.u32 s3, s0;
	s1 =	sshll.u32 s1, $0x11  }
0xbb: {  	s0 =	sor.u32 s1, s0  }
0xbc: {  	s0 =	sadd.s32 $0x8F2B, s0  }
0xbd: {  	[sflag:s0] =	ssyncadd.remote.s32 $0x1  }
0xbe: {  	_ =	sfence.sel $0xFFFF  }
0xbf: {  	[dreg:$0x0] =	wrdreg $0xFFFFFFFF;
	(pc) =	sbr.abs _section_cstart, $3  }
0xc0: {  	[dreg:$0x1] =	wrdreg $0xFFFFFFFF  }
0xc1: {  	_ =	task.clear_ibuf [dreg:s7], $0x2FFFF;
	_ =	strace $0x9FFFFFFF  }
0xc2: {  	(tm) =	ssettm $0x7FFFFFFF  }
0xc3: {  	_ =	shalt  }
tec
execute0_lowered:
.L_overlay_start_1:
0x0: {  	(tag) =	ssettag $0x1  }
0x1: {  	s1 =	srdreg.scid  }
0x2: {  	s0 =	stileid.u32;
	s6 =	sand.u32 $0x1, s1  }
0x3: {  	s5 =	rddreg [dreg:$0x0];
	s30 =	sshll.u32 s0, $0x5;
	s2 =	sshll.u32 s6, $0x4  }
0x4: {  	s9 =	rddreg [dreg:$0x1];
	s7 =	simm.s32 $0x80;
	s10 =	sor.u32 s2, s30  }
0x5: {  	s1 =	rddreg [dreg:$0x2];
	s2 =	simm.s32 $0x0;
	s3 =	sshrl.u32 s10, $0x3  }
0x6: {  	s11 =	ssub.s32 $0x2, s6;
	[smem:$0x7FF] =	sst s2;
	s3 =	sadd.s32 s3, s5  }
0x7: {  	_ =	strace $0x80000047;
	s4 =	sadd.s32 $0x200, s3;
	s3 =	simm.s32 $0x2  }
0x8: {  	[tilespmem:s2], [sflag:$0x2] =	stream.linear.gather [hbm4b:s4+s2], $0x10, $0x38;
	[tilespmem:$0x880] =	vst v63  }
0x9: {  	s8 =	simm.s32 $0x1;
	s12 =	sshrl.u32 s11, $0x1;
	_ =	swait.ge [sflag:s3], $0x10  }
0xa: {  	s6 =	simm.s32 $0x10;
	s11 =	ssub.s32 s11, s12;
	[sflag:s3] =	ssyncset.done $0x0  }
0xb: {  	s5 =	sadd.s32 $0x400, s5;
	s31 =	smax.u32 s11, $0x1;
	[sflag:s3] =	ssyncadd.s32 $0xFFFFFFF0  }
0xc: {  	[tilespmem:s7], [sflag:$0x1] =	stream.indirect.gather [hbm4b:s5+s6], $0x80, s2, s6, $0xb8;
	[tilespmem:$0x880] =	vst v63  }
0xd: {  	p0 =	sne.s32 s31, $0x1;
	_ =	swait.ge [sflag:s8], $0x800  }
.Ltmp0:
0xe: {  	s10 =	sshll.u32 s10, $0x4;
	[sflag:s8] =	ssyncset.done $0x0;
	(pc) =	sbr.rel @!p0 .LBB2_2-.Ltmp0, $4  }
0xf: {  	s9 =	sadd.s32 s9, s10;
	[sflag:s8] =	ssyncadd.s32 $0xFFFFF800  }
0x10: {  	[hbm4b:s9+s2] =	stream.linear.scatter [tilespmem:s7], [sflag:$0x2], $0x800, $0x38;
	[tilespmem:$0x880] =	vst v63  }
0x11: {  	_ =	swait.ge [sflag:s3], $0x800  }
0x12: {  	s10 =	sadd.s32 $0xFFFFFFFF, s31;
	[sflag:s3] =	ssyncset.done $0x0  }
.LBB2_1:
0x13: {  	p0 =	sne.s32 s10, $0x1;
	s10 =	sadd.s32 $0xFFFFFFFF, s10;
	[sflag:s3] =	ssyncadd.s32 $0xFFFFF800  }
0x14: {  	[tilespmem:s2], [sflag:$0x2] =	stream.linear.gather [hbm4b:s4+s2], $0x10, $0x38;
	[tilespmem:$0x880] =	vst v63  }
0x15: {  	_ =	swait.ge [sflag:s3], $0x10  }
0x16: {  	[sflag:s3] =	ssyncset.done $0x0  }
0x17: {  	[sflag:s3] =	ssyncadd.s32 $0xFFFFFFF0  }
0x18: {  	[tilespmem:s7], [sflag:$0x1] =	stream.indirect.gather [hbm4b:s5+s6], $0x80, s2, s6, $0xb8;
	[tilespmem:$0x880] =	vst v63  }
0x19: {  	_ =	swait.ge [sflag:s8], $0x800  }
.Ltmp1:
0x1a: {  	[sflag:s8] =	ssyncset.done $0x0;
	(pc) =	sbr.rel @p0 .LBB2_1-.Ltmp1, $4  }
0x1b: {  	[sflag:s8] =	ssyncadd.s32 $0xFFFFF800  }
0x1c: {  	[hbm4b:s9+s2] =	stream.linear.scatter [tilespmem:s7], [sflag:$0x2], $0x800, $0x38;
	[tilespmem:$0x880] =	vst v63  }
0x1d: {  	_ =	swait.ge [sflag:s3], $0x800  }
0x1e: {  	[sflag:s3] =	ssyncset.done $0x0  }
.LBB2_2:
0x1f: {  	[sflag:s3] =	ssyncadd.s32 $0xFFFFF800  }
0x20: {  	_ =	sfence.sel $0x180000  }
0x21: {  	[bflag:$0x0] =	sbarrier.arrive $0xFFFF  }
0x22: {  	p0 =	sne.s32 s0, $0x0;
	_ =	strace $0x90000047  }
0x23: {  	s0 =	sadd.s32 @!p0 $0x100000, s1;
	[bflag:$0x2] =	sbarrier.arrive $0xFFFF  }
0x24: {  	[sflag:s0] =	ssyncadd.tile.s32 @!p0 $0x1;
	_ =	shalt  }
.Lfunc_end2:
_tile_overlayer_lowered:
.L_overlay_start_2:
0x25: {  	(tag) =	ssettag $0x2  }
0x26: {  	s0 =	rddreg [dreg:$0x0];
	s2 =	stileid.u32  }
0x27: {  	s1 =	rddreg [dreg:$0x1];
	p0 =	sne.s32 s2, $0x0  }
0x28: {  	s3 =	rddreg [dreg:$0x2];
	[bflag:$0x3] =	sbarrier.arrive $0xFFFF;
	s2 =	simm.s32 @!p0 $0x1C02  }
0x29: {  	[timem:s3], [sflag:s2] =	dma.local @!p0 [hbm:s0], s1  }
0x2a: {  	s0 =	simm.s32 @!p0 $0x2  }
0x2b: {  	_ =	swait.ge @!p0 [sflag:s0], s1  }
0x2c: {  	s1 =	ssub.s32 @!p0 $0x0, s1;
	[sflag:s0] =	ssyncset.done @!p0 $0x0  }
0x2d: {  	[sflag:s0] =	ssyncadd.s32 @!p0 s1  }
0x2e: {  	[bflag:$0x3] =	sbarrier.arrive $0xFFFF  }
0x2f: {  	_ =	shalt  }

</sc_bundles>
